<compile_context>
chip_gen: v7x
topology: tpu7x:2x2x1
jax: 0.10.2.dev20260603
libtpu: 0.0.44.dev20260713+nightly
codegen_flags: <defaults>
</compile_context>

<pallas_src>
import functools

import jax
import jax.numpy as jnp
from jax import lax
from jax.experimental import pallas as pl
from jax.experimental.pallas import tpu as pltpu
from jax.experimental.pallas import tpu_sc as plsc

_RATIO = 0.05
_R = 256
_CHUNK = 128


def _gather_body(x_ref, t_ref, o_ref, tgt_v, idx_v, val_v, sem, *, c, bpw):
    nc = 2
    wid = lax.axis_index("subcore") * nc + lax.axis_index("core")
    base = wid * bpw
    pltpu.sync_copy(t_ref.at[pl.ds(base, bpw)], tgt_v)

    @pl.loop(0, bpw, step=16)
    def _(j):
        lane = lax.iota(jnp.int32, 16)
        idx_v[pl.ds(j, 16)] = (base + j + lane) * c + tgt_v[pl.ds(j, 16)]

    copies = [
        pltpu.make_async_copy(
            x_ref.at[idx_v.at[pl.ds(ch * _CHUNK, _CHUNK)]],
            val_v.at[pl.ds(ch * _CHUNK, _CHUNK)],
            sem,
        )
        for ch in range(bpw // _CHUNK)
    ]
    for d in copies:
        d.start()
    for d in copies:
        d.wait()
    pltpu.sync_copy(val_v, o_ref.at[pl.ds(base, bpw)])


def _sc_gather_target_logits(input, target):
    n, c = input.shape
    bpw = n // 32
    mesh = plsc.VectorSubcoreMesh(core_axis_name="core", subcore_axis_name="subcore")
    k = pl.kernel(
        functools.partial(_gather_body, c=c, bpw=bpw),
        out_type=jax.ShapeDtypeStruct((n,), jnp.float32),
        mesh=mesh,
        scratch_types=[
            pltpu.VMEM((bpw,), jnp.int32),
            pltpu.VMEM((bpw,), jnp.int32),
            pltpu.VMEM((bpw,), jnp.float32),
            pltpu.SemaphoreType.DMA,
        ],
    )
    return k(input.reshape(-1), target)


def _ohem_body(x_ref, tl_ref, out_ref, loss_ref, *, nblocks, k):
    i = pl.program_id(0)
    x = x_ref[...]

    m = jnp.max(x, axis=1, keepdims=True)
    s = jnp.sum(jnp.exp(x - m), axis=1)
    lse = m[:, 0] + jnp.log(s)
    loss = lse - tl_ref[0, 0, :]
    loss_ref[pl.ds(i, 1), :] = loss.reshape(1, -1)

    @pl.when(i == nblocks - 1)
    def _select():
        vals = loss_ref[...]
        bits = lax.bitcast_convert_type(vals, jnp.int32)

        def body(j, lo):
            cand = lo + (1 << (30 - j))
            cnt = jnp.sum((bits >= cand).astype(jnp.int32))
            return jnp.where(cnt >= k, cand, lo)

        thr = lax.fori_loop(0, 31, body, jnp.int32(0))
        tval = lax.bitcast_convert_type(thr, jnp.float32)
        gt = bits > thr
        cnt_gt = jnp.sum(gt.astype(jnp.int32))
        sum_gt = jnp.sum(jnp.where(gt, vals, 0.0))
        out_ref[0, 0] = (sum_gt + (k - cnt_gt).astype(jnp.float32) * tval) / k


@jax.jit
def kernel(input, target):
    n, c = input.shape
    nblocks = n // _R
    k = max(1, int(n * _RATIO))
    t_logits = _sc_gather_target_logits(input, target)
    out = pl.pallas_call(
        functools.partial(_ohem_body, nblocks=nblocks, k=k),
        grid=(nblocks,),
        in_specs=[
            pl.BlockSpec((_R, c), lambda i: (i, 0)),
            pl.BlockSpec((1, 1, _R), lambda i: (i, 0, 0)),
        ],
        out_specs=pl.BlockSpec(memory_space=pltpu.SMEM),
        out_shape=jax.ShapeDtypeStruct((1, 1), jnp.float32),
        scratch_shapes=[pltpu.VMEM((nblocks, _R), jnp.float32)],
        compiler_params=pltpu.CompilerParams(
            dimension_semantics=("arbitrary",),
        ),
    )(input, t_logits.reshape(nblocks, 1, _R))
    return out[0, 0]

# --- scband reference (transcript-rebuilt; emitter-appended) ---
"""Pipeline reference for scband-ohem-cross-entropy-loss-71940702208035 (READ-ONLY COPY).

The authoritative reference and input builder live on the scoring server;
editing this copy changes nothing except your own understanding.
"""

import jax, jax.numpy as jnp
import numpy as np

RATIO = 0.05
N = 32768
C = 4096


def setup_inputs(seed: int = 0) -> dict:
    key = jax.random.key(seed)
    k1, k2 = jax.random.split(key)
    inp = jax.random.normal(k1, (N, C), dtype=jnp.float32)
    target = jax.random.randint(k2, (N,), 0, C, dtype=jnp.int32)
    return {"input": inp, "target": target}


def reference(input, target):
    # F.cross_entropy(input, target, reduction='none')
    logp = jax.nn.log_softmax(input, axis=-1)
    nll = -jnp.take_along_axis(logp, target[:, None].astype(jnp.int32), axis=1)[:, 0]
    losses = nll.reshape(-1)
    # torch.sort(losses, descending=True)
    sorted_losses = jnp.sort(losses)[::-1]
    k = max(1, int(losses.shape[0] * RATIO))
    return sorted_losses[:k].mean()

if __name__ == "__main__":
    import jax
    _d = setup_inputs()
    print(jax.jit(kernel)(*tuple(_d.values())))

</pallas_src>

<mosaic_0001>
#map = affine_map<(d0, d1) -> (0)>
module attributes {stable_mosaic.version = 14 : i64} {
  func.func @_gather_body(%arg0: i32, %arg1: i32, %arg2: memref<134217728xf32, #tpu.memory_space<hbm>>, %arg3: memref<32768xi32, #tpu.memory_space<hbm>>, %arg4: memref<32768xf32, #tpu.memory_space<hbm>>, %arg5: memref<1024xi32, #tpu.memory_space<vmem>>, %arg6: memref<1024xi32, #tpu.memory_space<vmem>>, %arg7: memref<1024xf32, #tpu.memory_space<vmem>>, %arg8: memref<!tpu.dma_semaphore, #tpu.memory_space<semaphore_mem>>) attributes {dimension_semantics = [#tpu.dimension_semantics<core_parallel>, #tpu.dimension_semantics<subcore_parallel>], iteration_bounds = array<i64: 2, 16>, scalar_prefetch = 0 : i64, scratch_operands = 4 : i64, tpu.core_type = #tpu.core_type<sc_vector_subcore>, window_params = [{transform_indices = #map}, {transform_indices = #map}, {transform_indices = #map}]} {
    %mul3A = arith.constant 2 : i32
    %mul3A_0 = arith.muli %arg1, %mul3A : i32
    %add3A = arith.addi %mul3A_0, %arg0 : i32
    %mul3A_1 = arith.constant 1024 : i32
    %mul3A_2 = arith.muli %add3A, %mul3A_1 : i32
    "tpu.region"() ({
      %run_scoped3A = tpu.sem_alloc : memref<!tpu.dma_semaphore, #tpu.memory_space<semaphore_mem>>
      %dma_start3A_101 = tpu.memref_slice %arg3[%mul3A_2] : memref<32768xi32, #tpu.memory_space<hbm>> -> memref<1024xi32, #tpu.memory_space<hbm>>
      %dma_start3A_102 = tpu.memref_slice %arg3[%mul3A_2] : memref<32768xi32, #tpu.memory_space<hbm>> -> memref<1024xi32, #tpu.memory_space<hbm>>
      tpu.enqueue_dma source(%dma_start3A_102 : memref<1024xi32, #tpu.memory_space<hbm>>) target(%arg5 : memref<1024xi32, #tpu.memory_space<vmem>>) target_semaphore(%run_scoped3A : memref<!tpu.dma_semaphore, #tpu.memory_space<semaphore_mem>>)
      %dma_wait3A_103 = tpu.memref_slice %arg3[%mul3A_2] : memref<32768xi32, #tpu.memory_space<hbm>> -> memref<1024xi32, #tpu.memory_space<hbm>>
      %dma_wait3A_104 = tpu.memref_slice %arg3[%mul3A_2] : memref<32768xi32, #tpu.memory_space<hbm>> -> memref<1024xi32, #tpu.memory_space<hbm>>
      tpu.wait_dma2 semaphore(%run_scoped3A : memref<!tpu.dma_semaphore, #tpu.memory_space<semaphore_mem>>) src(%dma_wait3A_104 : memref<1024xi32, #tpu.memory_space<hbm>>) dst(%arg5 : memref<1024xi32, #tpu.memory_space<vmem>>)
      tpu.yield
    }) : () -> ()
    %scan3A = arith.constant 0 : i32
    %scan3A_3 = arith.constant 64 : i32
    %scan3A_4 = arith.addi %scan3A, %scan3A_3 : i32
    %scan3A_5 = arith.constant 1 : i32
    scf.for %scan3A_101 = %scan3A to %scan3A_4 step %scan3A_5  : i32 {
      %mul3A_102 = arith.constant 16 : i32
      %mul3A_103 = arith.muli %scan3A_101, %mul3A_102 : i32
      %add3A_104 = arith.constant 0 : i32
      %add3A_105 = arith.addi %add3A_104, %mul3A_103 : i32
      %iota3A = tpu.iota {dimensions = array<i32: 0>} : vector<16xi32>
      %add3A_106 = arith.addi %mul3A_2, %add3A_105 : i32
      %add3A_107 = vector.broadcast %add3A_106 : i32 to vector<16xi32>
      %add3A_108 = arith.addi %add3A_107, %iota3A : vector<16xi32>
      %mul3A_109 = arith.constant 4096 : i32
      %mul3A_110 = vector.broadcast %mul3A_109 : i32 to vector<16xi32>
      %mul3A_111 = arith.muli %add3A_108, %mul3A_110 : vector<16xi32>
      %get3A = arith.index_cast %add3A_105 : i32 to index
      %get3A_112 = tpu.vector_load %arg5[%get3A] {strides = array<i32>} : memref<1024xi32, #tpu.memory_space<vmem>>, vector<16xi32>,
      %get3A_113 = vector.shape_cast %get3A_112 : vector<16xi32> to vector<16xi32>
      %add3A_114 = arith.addi %mul3A_111, %get3A_113 : vector<16xi32>
      %swap3A = arith.index_cast %add3A_105 : i32 to index
      %swap3A_115 = tpu.vector_load %arg6[%swap3A] {strides = array<i32>} : memref<1024xi32, #tpu.memory_space<vmem>>, vector<16xi32>,
      %swap3A_116 = vector.shape_cast %swap3A_115 : vector<16xi32> to vector<16xi32>
      %swap3A_117 = vector.shape_cast %add3A_114 : vector<16xi32> to vector<16xi32>
      tpu.vector_store %arg6[%swap3A], %swap3A_117 {strides = array<i32>} : memref<1024xi32, #tpu.memory_space<vmem>>, vector<16xi32>,
    }
    %scan3A_6 = arith.constant 64 : i32
    %dma_start3A = arith.constant 0 : i32
    %dma_start3A_7 = tpu.memref_slice %arg7[%dma_start3A] : memref<1024xf32, #tpu.memory_space<vmem>> -> memref<128xf32, #tpu.memory_space<vmem>>
    %dma_start3A_8 = arith.constant 0 : i32
    %dma_start3A_9 = tpu.memref_slice %arg6[%dma_start3A_8] : memref<1024xi32, #tpu.memory_space<vmem>> -> memref<128xi32, #tpu.memory_space<vmem>>
    %dma_start3A_10 = arith.constant 0 : i32
    %dma_start3A_11 = tpu.memref_slice %arg2[%dma_start3A_10] : memref<134217728xf32, #tpu.memory_space<hbm>> -> memref<134217728xf32, #tpu.memory_space<hbm>>
    tpu.enqueue_indirect_dma source(%dma_start3A_11 : memref<134217728xf32, #tpu.memory_space<hbm>>) target(%dma_start3A_7 : memref<128xf32, #tpu.memory_space<vmem>>) offsets(%dma_start3A_9 : memref<128xi32, #tpu.memory_space<vmem>>) semaphore(%arg8 : memref<!tpu.dma_semaphore, #tpu.memory_space<semaphore_mem>>)
    %dma_start3A_12 = arith.constant 128 : i32
    %dma_start3A_13 = tpu.memref_slice %arg7[%dma_start3A_12] : memref<1024xf32, #tpu.memory_space<vmem>> -> memref<128xf32, #tpu.memory_space<vmem>>
    %dma_start3A_14 = arith.constant 128 : i32
    %dma_start3A_15 = tpu.memref_slice %arg6[%dma_start3A_14] : memref<1024xi32, #tpu.memory_space<vmem>> -> memref<128xi32, #tpu.memory_space<vmem>>
    %dma_start3A_16 = arith.constant 0 : i32
    %dma_start3A_17 = tpu.memref_slice %arg2[%dma_start3A_16] : memref<134217728xf32, #tpu.memory_space<hbm>> -> memref<134217728xf32, #tpu.memory_space<hbm>>
    tpu.enqueue_indirect_dma source(%dma_start3A_17 : memref<134217728xf32, #tpu.memory_space<hbm>>) target(%dma_start3A_13 : memref<128xf32, #tpu.memory_space<vmem>>) offsets(%dma_start3A_15 : memref<128xi32, #tpu.memory_space<vmem>>) semaphore(%arg8 : memref<!tpu.dma_semaphore, #tpu.memory_space<semaphore_mem>>)
    %dma_start3A_18 = arith.constant 256 : i32
    %dma_start3A_19 = tpu.memref_slice %arg7[%dma_start3A_18] : memref<1024xf32, #tpu.memory_space<vmem>> -> memref<128xf32, #tpu.memory_space<vmem>>
    %dma_start3A_20 = arith.constant 256 : i32
    %dma_start3A_21 = tpu.memref_slice %arg6[%dma_start3A_20] : memref<1024xi32, #tpu.memory_space<vmem>> -> memref<128xi32, #tpu.memory_space<vmem>>
    %dma_start3A_22 = arith.constant 0 : i32
    %dma_start3A_23 = tpu.memref_slice %arg2[%dma_start3A_22] : memref<134217728xf32, #tpu.memory_space<hbm>> -> memref<134217728xf32, #tpu.memory_space<hbm>>
    tpu.enqueue_indirect_dma source(%dma_start3A_23 : memref<134217728xf32, #tpu.memory_space<hbm>>) target(%dma_start3A_19 : memref<128xf32, #tpu.memory_space<vmem>>) offsets(%dma_start3A_21 : memref<128xi32, #tpu.memory_space<vmem>>) semaphore(%arg8 : memref<!tpu.dma_semaphore, #tpu.memory_space<semaphore_mem>>)
    %dma_start3A_24 = arith.constant 384 : i32
    %dma_start3A_25 = tpu.memref_slice %arg7[%dma_start3A_24] : memref<1024xf32, #tpu.memory_space<vmem>> -> memref<128xf32, #tpu.memory_space<vmem>>
    %dma_start3A_26 = arith.constant 384 : i32
    %dma_start3A_27 = tpu.memref_slice %arg6[%dma_start3A_26] : memref<1024xi32, #tpu.memory_space<vmem>> -> memref<128xi32, #tpu.memory_space<vmem>>
    %dma_start3A_28 = arith.constant 0 : i32
    %dma_start3A_29 = tpu.memref_slice %arg2[%dma_start3A_28] : memref<134217728xf32, #tpu.memory_space<hbm>> -> memref<134217728xf32, #tpu.memory_space<hbm>>
    tpu.enqueue_indirect_dma source(%dma_start3A_29 : memref<134217728xf32, #tpu.memory_space<hbm>>) target(%dma_start3A_25 : memref<128xf32, #tpu.memory_space<vmem>>) offsets(%dma_start3A_27 : memref<128xi32, #tpu.memory_space<vmem>>) semaphore(%arg8 : memref<!tpu.dma_semaphore, #tpu.memory_space<semaphore_mem>>)
    %dma_start3A_30 = arith.constant 512 : i32
    %dma_start3A_31 = tpu.memref_slice %arg7[%dma_start3A_30] : memref<1024xf32, #tpu.memory_space<vmem>> -> memref<128xf32, #tpu.memory_space<vmem>>
    %dma_start3A_32 = arith.constant 512 : i32
    %dma_start3A_33 = tpu.memref_slice %arg6[%dma_start3A_32] : memref<1024xi32, #tpu.memory_space<vmem>> -> memref<128xi32, #tpu.memory_space<vmem>>
    %dma_start3A_34 = arith.constant 0 : i32
    %dma_start3A_35 = tpu.memref_slice %arg2[%dma_start3A_34] : memref<134217728xf32, #tpu.memory_space<hbm>> -> memref<134217728xf32, #tpu.memory_space<hbm>>
    tpu.enqueue_indirect_dma source(%dma_start3A_35 : memref<134217728xf32, #tpu.memory_space<hbm>>) target(%dma_start3A_31 : memref<128xf32, #tpu.memory_space<vmem>>) offsets(%dma_start3A_33 : memref<128xi32, #tpu.memory_space<vmem>>) semaphore(%arg8 : memref<!tpu.dma_semaphore, #tpu.memory_space<semaphore_mem>>)
    %dma_start3A_36 = arith.constant 640 : i32
    %dma_start3A_37 = tpu.memref_slice %arg7[%dma_start3A_36] : memref<1024xf32, #tpu.memory_space<vmem>> -> memref<128xf32, #tpu.memory_space<vmem>>
    %dma_start3A_38 = arith.constant 640 : i32
    %dma_start3A_39 = tpu.memref_slice %arg6[%dma_start3A_38] : memref<1024xi32, #tpu.memory_space<vmem>> -> memref<128xi32, #tpu.memory_space<vmem>>
    %dma_start3A_40 = arith.constant 0 : i32
    %dma_start3A_41 = tpu.memref_slice %arg2[%dma_start3A_40] : memref<134217728xf32, #tpu.memory_space<hbm>> -> memref<134217728xf32, #tpu.memory_space<hbm>>
    tpu.enqueue_indirect_dma source(%dma_start3A_41 : memref<134217728xf32, #tpu.memory_space<hbm>>) target(%dma_start3A_37 : memref<128xf32, #tpu.memory_space<vmem>>) offsets(%dma_start3A_39 : memref<128xi32, #tpu.memory_space<vmem>>) semaphore(%arg8 : memref<!tpu.dma_semaphore, #tpu.memory_space<semaphore_mem>>)
    %dma_start3A_42 = arith.constant 768 : i32
    %dma_start3A_43 = tpu.memref_slice %arg7[%dma_start3A_42] : memref<1024xf32, #tpu.memory_space<vmem>> -> memref<128xf32, #tpu.memory_space<vmem>>
    %dma_start3A_44 = arith.constant 768 : i32
    %dma_start3A_45 = tpu.memref_slice %arg6[%dma_start3A_44] : memref<1024xi32, #tpu.memory_space<vmem>> -> memref<128xi32, #tpu.memory_space<vmem>>
    %dma_start3A_46 = arith.constant 0 : i32
    %dma_start3A_47 = tpu.memref_slice %arg2[%dma_start3A_46] : memref<134217728xf32, #tpu.memory_space<hbm>> -> memref<134217728xf32, #tpu.memory_space<hbm>>
    tpu.enqueue_indirect_dma source(%dma_start3A_47 : memref<134217728xf32, #tpu.memory_space<hbm>>) target(%dma_start3A_43 : memref<128xf32, #tpu.memory_space<vmem>>) offsets(%dma_start3A_45 : memref<128xi32, #tpu.memory_space<vmem>>) semaphore(%arg8 : memref<!tpu.dma_semaphore, #tpu.memory_space<semaphore_mem>>)
    %dma_start3A_48 = arith.constant 896 : i32
    %dma_start3A_49 = tpu.memref_slice %arg7[%dma_start3A_48] : memref<1024xf32, #tpu.memory_space<vmem>> -> memref<128xf32, #tpu.memory_space<vmem>>
    %dma_start3A_50 = arith.constant 896 : i32
    %dma_start3A_51 = tpu.memref_slice %arg6[%dma_start3A_50] : memref<1024xi32, #tpu.memory_space<vmem>> -> memref<128xi32, #tpu.memory_space<vmem>>
    %dma_start3A_52 = arith.constant 0 : i32
    %dma_start3A_53 = tpu.memref_slice %arg2[%dma_start3A_52] : memref<134217728xf32, #tpu.memory_space<hbm>> -> memref<134217728xf32, #tpu.memory_space<hbm>>
    tpu.enqueue_indirect_dma source(%dma_start3A_53 : memref<134217728xf32, #tpu.memory_space<hbm>>) target(%dma_start3A_49 : memref<128xf32, #tpu.memory_space<vmem>>) offsets(%dma_start3A_51 : memref<128xi32, #tpu.memory_space<vmem>>) semaphore(%arg8 : memref<!tpu.dma_semaphore, #tpu.memory_space<semaphore_mem>>)
    %dma_wait3A = arith.constant 0 : i32
    %dma_wait3A_54 = tpu.memref_slice %arg7[%dma_wait3A] : memref<1024xf32, #tpu.memory_space<vmem>> -> memref<128xf32, #tpu.memory_space<vmem>>
    %dma_wait3A_55 = arith.constant 0 : i32
    %dma_wait3A_56 = tpu.memref_slice %arg6[%dma_wait3A_55] : memref<1024xi32, #tpu.memory_space<vmem>> -> memref<128xi32, #tpu.memory_space<vmem>>
    %dma_wait3A_57 = arith.constant 0 : i32
    %dma_wait3A_58 = tpu.memref_slice %arg2[%dma_wait3A_57] : memref<134217728xf32, #tpu.memory_space<hbm>> -> memref<134217728xf32, #tpu.memory_space<hbm>>
    tpu.wait_indirect_dma semaphore(%arg8 : memref<!tpu.dma_semaphore, #tpu.memory_space<semaphore_mem>>) src(%dma_wait3A_58 : memref<134217728xf32, #tpu.memory_space<hbm>>) dst(%dma_wait3A_54 : memref<128xf32, #tpu.memory_space<vmem>>)
    %dma_wait3A_59 = arith.constant 128 : i32
    %dma_wait3A_60 = tpu.memref_slice %arg7[%dma_wait3A_59] : memref<1024xf32, #tpu.memory_space<vmem>> -> memref<128xf32, #tpu.memory_space<vmem>>
    %dma_wait3A_61 = arith.constant 128 : i32
    %dma_wait3A_62 = tpu.memref_slice %arg6[%dma_wait3A_61] : memref<1024xi32, #tpu.memory_space<vmem>> -> memref<128xi32, #tpu.memory_space<vmem>>
    %dma_wait3A_63 = arith.constant 0 : i32
    %dma_wait3A_64 = tpu.memref_slice %arg2[%dma_wait3A_63] : memref<134217728xf32, #tpu.memory_space<hbm>> -> memref<134217728xf32, #tpu.memory_space<hbm>>
    tpu.wait_indirect_dma semaphore(%arg8 : memref<!tpu.dma_semaphore, #tpu.memory_space<semaphore_mem>>) src(%dma_wait3A_64 : memref<134217728xf32, #tpu.memory_space<hbm>>) dst(%dma_wait3A_60 : memref<128xf32, #tpu.memory_space<vmem>>)
    %dma_wait3A_65 = arith.constant 256 : i32
    %dma_wait3A_66 = tpu.memref_slice %arg7[%dma_wait3A_65] : memref<1024xf32, #tpu.memory_space<vmem>> -> memref<128xf32, #tpu.memory_space<vmem>>
    %dma_wait3A_67 = arith.constant 256 : i32
    %dma_wait3A_68 = tpu.memref_slice %arg6[%dma_wait3A_67] : memref<1024xi32, #tpu.memory_space<vmem>> -> memref<128xi32, #tpu.memory_space<vmem>>
    %dma_wait3A_69 = arith.constant 0 : i32
    %dma_wait3A_70 = tpu.memref_slice %arg2[%dma_wait3A_69] : memref<134217728xf32, #tpu.memory_space<hbm>> -> memref<134217728xf32, #tpu.memory_space<hbm>>
    tpu.wait_indirect_dma semaphore(%arg8 : memref<!tpu.dma_semaphore, #tpu.memory_space<semaphore_mem>>) src(%dma_wait3A_70 : memref<134217728xf32, #tpu.memory_space<hbm>>) dst(%dma_wait3A_66 : memref<128xf32, #tpu.memory_space<vmem>>)
    %dma_wait3A_71 = arith.constant 384 : i32
    %dma_wait3A_72 = tpu.memref_slice %arg7[%dma_wait3A_71] : memref<1024xf32, #tpu.memory_space<vmem>> -> memref<128xf32, #tpu.memory_space<vmem>>
    %dma_wait3A_73 = arith.constant 384 : i32
    %dma_wait3A_74 = tpu.memref_slice %arg6[%dma_wait3A_73] : memref<1024xi32, #tpu.memory_space<vmem>> -> memref<128xi32, #tpu.memory_space<vmem>>
    %dma_wait3A_75 = arith.constant 0 : i32
    %dma_wait3A_76 = tpu.memref_slice %arg2[%dma_wait3A_75] : memref<134217728xf32, #tpu.memory_space<hbm>> -> memref<134217728xf32, #tpu.memory_space<hbm>>
    tpu.wait_indirect_dma semaphore(%arg8 : memref<!tpu.dma_semaphore, #tpu.memory_space<semaphore_mem>>) src(%dma_wait3A_76 : memref<134217728xf32, #tpu.memory_space<hbm>>) dst(%dma_wait3A_72 : memref<128xf32, #tpu.memory_space<vmem>>)
    %dma_wait3A_77 = arith.constant 512 : i32
    %dma_wait3A_78 = tpu.memref_slice %arg7[%dma_wait3A_77] : memref<1024xf32, #tpu.memory_space<vmem>> -> memref<128xf32, #tpu.memory_space<vmem>>
    %dma_wait3A_79 = arith.constant 512 : i32
    %dma_wait3A_80 = tpu.memref_slice %arg6[%dma_wait3A_79] : memref<1024xi32, #tpu.memory_space<vmem>> -> memref<128xi32, #tpu.memory_space<vmem>>
    %dma_wait3A_81 = arith.constant 0 : i32
    %dma_wait3A_82 = tpu.memref_slice %arg2[%dma_wait3A_81] : memref<134217728xf32, #tpu.memory_space<hbm>> -> memref<134217728xf32, #tpu.memory_space<hbm>>
    tpu.wait_indirect_dma semaphore(%arg8 : memref<!tpu.dma_semaphore, #tpu.memory_space<semaphore_mem>>) src(%dma_wait3A_82 : memref<134217728xf32, #tpu.memory_space<hbm>>) dst(%dma_wait3A_78 : memref<128xf32, #tpu.memory_space<vmem>>)
    %dma_wait3A_83 = arith.constant 640 : i32
    %dma_wait3A_84 = tpu.memref_slice %arg7[%dma_wait3A_83] : memref<1024xf32, #tpu.memory_space<vmem>> -> memref<128xf32, #tpu.memory_space<vmem>>
    %dma_wait3A_85 = arith.constant 640 : i32
    %dma_wait3A_86 = tpu.memref_slice %arg6[%dma_wait3A_85] : memref<1024xi32, #tpu.memory_space<vmem>> -> memref<128xi32, #tpu.memory_space<vmem>>
    %dma_wait3A_87 = arith.constant 0 : i32
    %dma_wait3A_88 = tpu.memref_slice %arg2[%dma_wait3A_87] : memref<134217728xf32, #tpu.memory_space<hbm>> -> memref<134217728xf32, #tpu.memory_space<hbm>>
    tpu.wait_indirect_dma semaphore(%arg8 : memref<!tpu.dma_semaphore, #tpu.memory_space<semaphore_mem>>) src(%dma_wait3A_88 : memref<134217728xf32, #tpu.memory_space<hbm>>) dst(%dma_wait3A_84 : memref<128xf32, #tpu.memory_space<vmem>>)
    %dma_wait3A_89 = arith.constant 768 : i32
    %dma_wait3A_90 = tpu.memref_slice %arg7[%dma_wait3A_89] : memref<1024xf32, #tpu.memory_space<vmem>> -> memref<128xf32, #tpu.memory_space<vmem>>
    %dma_wait3A_91 = arith.constant 768 : i32
    %dma_wait3A_92 = tpu.memref_slice %arg6[%dma_wait3A_91] : memref<1024xi32, #tpu.memory_space<vmem>> -> memref<128xi32, #tpu.memory_space<vmem>>
    %dma_wait3A_93 = arith.constant 0 : i32
    %dma_wait3A_94 = tpu.memref_slice %arg2[%dma_wait3A_93] : memref<134217728xf32, #tpu.memory_space<hbm>> -> memref<134217728xf32, #tpu.memory_space<hbm>>
    tpu.wait_indirect_dma semaphore(%arg8 : memref<!tpu.dma_semaphore, #tpu.memory_space<semaphore_mem>>) src(%dma_wait3A_94 : memref<134217728xf32, #tpu.memory_space<hbm>>) dst(%dma_wait3A_90 : memref<128xf32, #tpu.memory_space<vmem>>)
    %dma_wait3A_95 = arith.constant 896 : i32
    %dma_wait3A_96 = tpu.memref_slice %arg7[%dma_wait3A_95] : memref<1024xf32, #tpu.memory_space<vmem>> -> memref<128xf32, #tpu.memory_space<vmem>>
    %dma_wait3A_97 = arith.constant 896 : i32
    %dma_wait3A_98 = tpu.memref_slice %arg6[%dma_wait3A_97] : memref<1024xi32, #tpu.memory_space<vmem>> -> memref<128xi32, #tpu.memory_space<vmem>>
    %dma_wait3A_99 = arith.constant 0 : i32
    %dma_wait3A_100 = tpu.memref_slice %arg2[%dma_wait3A_99] : memref<134217728xf32, #tpu.memory_space<hbm>> -> memref<134217728xf32, #tpu.memory_space<hbm>>
    tpu.wait_indirect_dma semaphore(%arg8 : memref<!tpu.dma_semaphore, #tpu.memory_space<semaphore_mem>>) src(%dma_wait3A_100 : memref<134217728xf32, #tpu.memory_space<hbm>>) dst(%dma_wait3A_96 : memref<128xf32, #tpu.memory_space<vmem>>)
    "tpu.region"() ({
      %run_scoped3A = tpu.sem_alloc : memref<!tpu.dma_semaphore, #tpu.memory_space<semaphore_mem>>
      %dma_start3A_101 = tpu.memref_slice %arg4[%mul3A_2] : memref<32768xf32, #tpu.memory_space<hbm>> -> memref<1024xf32, #tpu.memory_space<hbm>>
      %dma_start3A_102 = tpu.memref_slice %arg4[%mul3A_2] : memref<32768xf32, #tpu.memory_space<hbm>> -> memref<1024xf32, #tpu.memory_space<hbm>>
      tpu.enqueue_dma source(%arg7 : memref<1024xf32, #tpu.memory_space<vmem>>) target(%dma_start3A_102 : memref<1024xf32, #tpu.memory_space<hbm>>) target_semaphore(%run_scoped3A : memref<!tpu.dma_semaphore, #tpu.memory_space<semaphore_mem>>)
      %dma_wait3A_103 = tpu.memref_slice %arg4[%mul3A_2] : memref<32768xf32, #tpu.memory_space<hbm>> -> memref<1024xf32, #tpu.memory_space<hbm>>
      %dma_wait3A_104 = tpu.memref_slice %arg4[%mul3A_2] : memref<32768xf32, #tpu.memory_space<hbm>> -> memref<1024xf32, #tpu.memory_space<hbm>>
      tpu.wait_dma2 semaphore(%run_scoped3A : memref<!tpu.dma_semaphore, #tpu.memory_space<semaphore_mem>>) src(%arg7 : memref<1024xf32, #tpu.memory_space<vmem>>) dst(%dma_wait3A_104 : memref<1024xf32, #tpu.memory_space<hbm>>)
      tpu.yield
    }) : () -> ()
    return
  }
}

module attributes {stable_mosaic.version = 14 : i64} {
  func.func @_ohem_body(%arg0: i32, %arg1: memref<256x4096xf32, #tpu.memory_space<vmem>>, %arg2: memref<1x1x256xf32, #tpu.memory_space<vmem>>, %arg3: memref<1x1xf32, #tpu.memory_space<smem>>, %arg4: memref<128x256xf32, #tpu.memory_space<vmem>>) attributes {dimension_semantics = [#tpu.dimension_semantics<arbitrary>], iteration_bounds = array<i64: 128>, scalar_prefetch = 0 : i64, scratch_operands = 1 : i64, tpu.core_type = #tpu.core_type<tc>, window_params = [{transform_indices = @transform_0, window_bounds = array<i64: 256, 4096>}, {transform_indices = @transform_1, window_bounds = array<i64: 1, 1, 256>}, {transform_indices = @transform_2, window_bounds = array<i64: 1, 1>}]} {
    %get3A = arith.constant 0 : index
    %get3A_0 = arith.constant 0 : index
    %get3A_1 = vector.load %arg1[%get3A, %get3A_0] : memref<256x4096xf32, #tpu.memory_space<vmem>>, vector<256x4096xf32>
    %reduce_max3A = arith.constant dense<0xFF800000> : vector<256xf32>
    %reduce_max3A_2 = vector.multi_reduction <maximumf>, %get3A_1, %reduce_max3A [1] : vector<256x4096xf32> to vector<256xf32>
    %broadcast_in_dim3A = vector.shape_cast %reduce_max3A_2 : vector<256xf32> to vector<256x1xf32>
    %sub3A = vector.broadcast %broadcast_in_dim3A : vector<256x1xf32> to vector<256x4096xf32>
    %sub3A_3 = arith.subf %get3A_1, %sub3A : vector<256x4096xf32>
    %exp3A = math.exp %sub3A_3 : vector<256x4096xf32>
    %reduce_sum3A = arith.constant dense<0.000000e+00> : vector<256xf32>
    %reduce_sum3A_4 = vector.multi_reduction <add>, %exp3A, %reduce_sum3A [1] : vector<256x4096xf32> to vector<256xf32>
    %squeeze3A = vector.shape_cast %broadcast_in_dim3A : vector<256x1xf32> to vector<256xf32>
    %log3A = math.log %reduce_sum3A_4 : vector<256xf32>
    %add3A = arith.addf %squeeze3A, %log3A : vector<256xf32>
    %get3A_5 = arith.constant 0 : index
    %get3A_6 = arith.constant 0 : index
    %get3A_7 = arith.constant 0 : index
    %get3A_8 = vector.load %arg2[%get3A_5, %get3A_6, %get3A_7] : memref<1x1x256xf32, #tpu.memory_space<vmem>>, vector<1x1x256xf32>
    %get3A_9 = vector.shape_cast %get3A_8 : vector<1x1x256xf32> to vector<256xf32>
    %sub3A_10 = arith.subf %add3A, %get3A_9 : vector<256xf32>
    %reshape3A = vector.shape_cast %sub3A_10 : vector<256xf32> to vector<1x256xf32>
    %swap3A = arith.index_cast %arg0 : i32 to index
    %swap3A_11 = arith.constant 0 : index
    %swap3A_12 = vector.load %arg4[%swap3A, %swap3A_11] : memref<128x256xf32, #tpu.memory_space<vmem>>, vector<1x256xf32>
    tpu.vector_store %arg4[%swap3A, %swap3A_11], %reshape3A {strides = array<i32>} : memref<128x256xf32, #tpu.memory_space<vmem>>, vector<1x256xf32>,
    %eq3A = arith.constant 127 : i32
    %eq3A_13 = arith.cmpi eq, %arg0, %eq3A : i32
    %convert_element_type3A = arith.extui %eq3A_13 : i1 to i32
    %cond3A = arith.constant 0 : i32
    %cond3A_14 = arith.cmpi ne, %convert_element_type3A, %cond3A : i32
    scf.if %cond3A_14 {
      %get3A_15 = arith.constant 0 : index
      %get3A_16 = arith.constant 0 : index
      %get3A_17 = vector.load %arg4[%get3A_15, %get3A_16] : memref<128x256xf32, #tpu.memory_space<vmem>>, vector<128x256xf32>
      %bitcast_convert_type3A = tpu.bitcast %get3A_17 : vector<128x256xf32> -> vector<128x256xi32>
      %scan3A = arith.constant 0 : i32
      %scan3A_18 = arith.constant 0 : i32
      %scan3A_19 = arith.constant 31 : i32
      %scan3A_20 = arith.addi %scan3A_18, %scan3A_19 : i32
      %scan3A_21 = arith.constant 1 : i32
      %scan3A_22 = scf.for %scan3A_46 = %scan3A_18 to %scan3A_20 step %scan3A_21 iter_args(%scan3A_47 = %scan3A) -> (i32)  : i32 {
        %sub3A_48 = arith.constant 30 : i32
        %sub3A_49 = arith.subi %sub3A_48, %scan3A_46 : i32
        %shift_left3A = arith.constant 1 : i32
        %shift_left3A_50 = arith.shli %shift_left3A, %sub3A_49 : i32
        %add3A_51 = arith.addi %scan3A_47, %shift_left3A_50 : i32
        %ge3A = vector.broadcast %add3A_51 : i32 to vector<128x256xi32>
        %ge3A_52 = arith.cmpi sge, %bitcast_convert_type3A, %ge3A : vector<128x256xi32>
        %convert_element_type3A_53 = arith.extui %ge3A_52 : vector<128x256xi1> to vector<128x256xi32>
        %reduce_sum3A_54 = vector.shape_cast %convert_element_type3A_53 : vector<128x256xi32> to vector<1x128x256xi32>
        %reduce_sum3A_55 = arith.constant dense<0> : vector<1xi32>
        %reduce_sum3A_56 = vector.multi_reduction <add>, %reduce_sum3A_54, %reduce_sum3A_55 [1, 2] : vector<1x128x256xi32> to vector<1xi32>
        %reduce_sum3A_57 = vector.shape_cast %reduce_sum3A_56 : vector<1xi32> to vector<1x1x1xi32>
        %reduce_sum3A_58 = vector.extract %reduce_sum3A_57[0, 0, 0] : i32 from vector<1x1x1xi32>
        %ge3A_59 = arith.constant 1638 : i32
        %ge3A_60 = arith.cmpi sge, %reduce_sum3A_58, %ge3A_59 : i32
        %select_n3A_61 = arith.select %ge3A_60, %add3A_51, %scan3A_47 : i32
        scf.yield %select_n3A_61 : i32
      }
      %scan3A_23 = arith.constant 31 : i32
      %bitcast_convert_type3A_24 = arith.bitcast %scan3A_22 : i32 to f32
      %gt3A = vector.broadcast %scan3A_22 : i32 to vector<128x256xi32>
      %gt3A_25 = arith.cmpi sgt, %bitcast_convert_type3A, %gt3A : vector<128x256xi32>
      %convert_element_type3A_26 = arith.extui %gt3A_25 : vector<128x256xi1> to vector<128x256xi32>
      %reduce_sum3A_27 = vector.shape_cast %convert_element_type3A_26 : vector<128x256xi32> to vector<1x128x256xi32>
      %reduce_sum3A_28 = arith.constant dense<0> : vector<1xi32>
      %reduce_sum3A_29 = vector.multi_reduction <add>, %reduce_sum3A_27, %reduce_sum3A_28 [1, 2] : vector<1x128x256xi32> to vector<1xi32>
      %reduce_sum3A_30 = vector.shape_cast %reduce_sum3A_29 : vector<1xi32> to vector<1x1x1xi32>
      %reduce_sum3A_31 = vector.extract %reduce_sum3A_30[0, 0, 0] : i32 from vector<1x1x1xi32>
      %jit3A = arith.constant 0.000000e+00 : f32
      %broadcast_in_dim3A_32 = vector.broadcast %jit3A : f32 to vector<128x256xf32>
      %select_n3A = arith.select %gt3A_25, %get3A_17, %broadcast_in_dim3A_32 : vector<128x256xi1>, vector<128x256xf32>
      %reduce_sum3A_33 = vector.shape_cast %select_n3A : vector<128x256xf32> to vector<1x128x256xf32>
      %reduce_sum3A_34 = arith.constant dense<0.000000e+00> : vector<1xf32>
      %reduce_sum3A_35 = vector.multi_reduction <add>, %reduce_sum3A_33, %reduce_sum3A_34 [1, 2] : vector<1x128x256xf32> to vector<1xf32>
      %reduce_sum3A_36 = vector.shape_cast %reduce_sum3A_35 : vector<1xf32> to vector<1x1x1xf32>
      %reduce_sum3A_37 = vector.extract %reduce_sum3A_36[0, 0, 0] : f32 from vector<1x1x1xf32>
      %sub3A_38 = arith.constant 1638 : i32
      %sub3A_39 = arith.subi %sub3A_38, %reduce_sum3A_31 : i32
      %convert_element_type3A_40 = arith.sitofp %sub3A_39 : i32 to f32
      %mul3A = arith.mulf %convert_element_type3A_40, %bitcast_convert_type3A_24 : f32
      %add3A_41 = arith.addf %reduce_sum3A_37, %mul3A : f32
      %div3A = arith.constant 1.638000e+03 : f32
      %div3A_42 = arith.divf %add3A_41, %div3A : f32
      %swap3A_43 = arith.constant 0 : index
      %swap3A_44 = arith.constant 0 : index
      %swap3A_45 = memref.load %arg3[%swap3A_43, %swap3A_44] : memref<1x1xf32, #tpu.memory_space<smem>>
      memref.store %div3A_42, %arg3[%swap3A_43, %swap3A_44] : memref<1x1xf32, #tpu.memory_space<smem>>
    } else {
    }
    return
  }
  func.func @transform_0(%arg0: i32) -> (i32, i32) {
    %c0_i32 = arith.constant 0 : i32
    %c0_i32_0 = arith.constant 0 : i32
    return %arg0, %c0_i32 : i32, i32
  }
  func.func @transform_1(%arg0: i32) -> (i32, i32, i32) {
    %c0_i32 = arith.constant 0 : i32
    %c0_i32_0 = arith.constant 0 : i32
    %c0_i32_1 = arith.constant 0 : i32
    return %arg0, %c0_i32, %c0_i32_0 : i32, i32, i32
  }
  func.func @transform_2(%arg0: i32) -> (i32, i32) {
    %c0_i32 = arith.constant 0 : i32
    %c0_i32_0 = arith.constant 0 : i32
    %c0_i32_1 = arith.constant 0 : i32
    return %c0_i32, %c0_i32_0 : i32, i32
  }
}

</mosaic_0001>

<sc_bundles>
// kernel: kernel.4.cloned.1.call-start
scs
__scs_entry_jumppad:
0x0: {  	(pc) =	sbr.rel $0x88, $3  }
0x1: {  	(tag) =	ssettag $0x0;
	lr =	simm.s32 $0x1  }
0x2: {  	[smem:$0x3F9F] =	sst lr;
	_ =	strace $0xD0000000  }
0x3: {  	_ = 	snop  }
0x4: {  	_ = 	snop  }
0x5: {  	_ = 	snop  }
0x6: {  	_ = 	snop  }
0x7: {  	_ = 	snop  }
__scs_overlays_trampoline_lowered:
0x8: {  	[smem:$0x3FAE] =	sst s0  }
0x9: {  	[smem:$0x3FAF] =	sst s1  }
0xa: {  	[smem:$0x3FB0] =	sst s2  }
0xb: {  	[smem:$0x3FB1] =	sst s3  }
0xc: {  	[smem:$0x3FB2] =	sst s4  }
0xd: {  	[smem:$0x3FB3] =	sst s5  }
0xe: {  	[smem:$0x3FB4] =	sst s6  }
0xf: {  	[smem:$0x3FB5] =	sst s7  }
0x10: {  	[smem:$0x3FB6] =	sst s8  }
0x11: {  	[smem:$0x3FB7] =	sst s9;
	s0 =	simm.s32 @!p0 $0x0  }
0x12: {  	s1 =	sld [smem:$0x3F9D];
	s0 =	simm.s32 @p0 $0x1  }
0x13: {  	[smem:$0x3FB8] =	sst s0;
	s0 =	simm.s32 @!p1 $0x0  }
0x14: {  	s2 =	sld [smem:$0x3F9C];
	s0 =	simm.s32 @p1 $0x1  }
0x15: {  	[smem:$0x3FB9] =	sst s0;
	s0 =	simm.s32 @!p2 $0x0  }
0x16: {  	s3 =	sld [smem:$0x3FDB];
	s0 =	simm.s32 @p2 $0x1  }
0x17: {  	s4 =	simm.s32 $0x1BF5;
	[smem:$0x3FBB] =	sst s0  }
0x18: {  	s0 =	sld [smem:$0x3F9E];
	_ =	swait.ge [sflag:s4], $0x0  }
0x19: {  	s7 =	sld [smem:$0x3F9F]  }
0x1a: {  	s8 =	sadd.s32 $0xFFFFE003, lr  }
0x1b: {  	s9 =	sadd.s32 $0xFFFFFEF7, lr;
	s5 =	simm.s32 $0xFFFFFFFF;
	p2 =	slt.u32 s8, $0xFFFFF086  }
0x1c: {  	p1 =	slt.u32 s9, $0xF7A;
	s5 =	simm.s32 @!p2 $0x0  }
0x1d: {  	s5 =	simm.s32 @p1 $0x1;
	p0 =	seq.s32 s7, s2  }
0x1e: {  	s7 =	smul.u32 @!p0 $0xF7A, s2;
	p2 =	seq.s32 @!p0 s5, $0x0  }
0x1f: {  	s9 =	smul.u32 $0xF7A, s1;
	s8 =	simm.s32 @!p0 $0x1BF5;
	p2 =	por !p2, p0  }
0x20: {  	[sflag:s8] =	ssyncset.s32 @!p0 $0xFFFFF086;
	s6 =	sadd.s32 @!p0 s3, s7;
	s7 =	simm.s32 @!p0 $0x108  }
0x21: {  	s3 =	sadd.s32 s3, s9;
	s6 =	sadd.s32 @!p0 $0x88, s6;
	s7 =	simm.s32 @p2 $0x1082  }
0x22: {  	[simem:s7], [sflag:s8] =	dma.local @!p0 [hbm:s6], $0xF7A  }
0x23: {  	s9 =	sor.u32 $0xD0000000, s2;
	s6 =	simm.s32 $0x108;
	_ =	swait.ge @!p0 [sflag:s8], $0x0  }
0x24: {  	s3 =	sadd.s32 $0x88, s3;
	s6 =	simm.s32 @!p1 $0x1082;
	[sflag:s4] =	ssyncset.s32 $0xFFFFF086  }
0x25: {  	[simem:s6], [sflag:s4] =	dma.local [hbm:s3], $0xF7A  }
0x26: {  	[smem:$0x3F9F] =	sst s1;
	(tag) =	ssettag s2;
	_ =	strace s9  }
0x27: {  	s1 =	sld [smem:$0x3FAF]  }
0x28: {  	s2 =	sld [smem:$0x3FB0]  }
0x29: {  	s4 =	sld [smem:$0x3FB2]  }
0x2a: {  	p0 =	seq.s32 s5, $0x0;
	s5 =	sld [smem:$0x3FB3]  }
0x2b: {  	s6 =	sld [smem:$0x3FB4]  }
0x2c: {  	s7 =	sld [smem:$0x3FB5]  }
0x2d: {  	s3 =	simm.s32 $0x108;
	s8 =	sld [smem:$0x3FB6]  }
0x2e: {  	s3 =	simm.s32 @!p0 $0x1082;
	s9 =	sld [smem:$0x3FB7]  }
0x2f: {  	lr =	sadd.s32 s0, s3;
	s0 =	sld [smem:$0x3FAE]  }
0x30: {  	s3 =	sld [smem:$0x3FB1]  }
0x31: {  	[smem:$0x3FBA] =	sst s10  }
0x32: {  	s10 =	sld [smem:$0x3FB8];
	_ =	sdelay $0x3  }
0x33: {  	p0 =	seq.s32 s10, $0x1;
	s10 =	sld [smem:$0x3FBA];
	_ =	sdelay $0x3  }
0x34: {  	[smem:$0x3FBA] =	sst s10  }
0x35: {  	s10 =	sld [smem:$0x3FB9];
	_ =	sdelay $0x3  }
0x36: {  	p1 =	seq.s32 s10, $0x1;
	s10 =	sld [smem:$0x3FBA];
	_ =	sdelay $0x3  }
0x37: {  	[smem:$0x3FBA] =	sst s10  }
0x38: {  	s10 =	sld [smem:$0x3FBB]  }
0x39: {  	_ = 	snop;
	(pc) =	sbr.ind lr, $3  }
0x3a: {  	_ = 	snop  }
0x3b: {  	_ = 	snop  }
0x3c: {  	p2 =	seq.s32 s10, $0x1;
	s10 =	sld [smem:$0x3FBA]  }
0x3d: {  	_ =	shalt  }
0x3e: {  	_ =	shalt  }
0x3f: {  	_ =	shalt  }
0x40: {  	_ =	shalt  }
0x41: {  	_ =	shalt  }
0x42: {  	_ =	shalt  }
0x43: {  	_ =	shalt  }
0x44: {  	_ =	shalt  }
0x45: {  	_ =	shalt  }
0x46: {  	_ =	shalt  }
0x47: {  	_ =	shalt  }
0x48: {  	_ =	shalt  }
0x49: {  	_ =	shalt  }
0x4a: {  	_ =	shalt  }
0x4b: {  	_ =	shalt  }
0x4c: {  	_ =	shalt  }
0x4d: {  	_ =	shalt  }
0x4e: {  	_ =	shalt  }
0x4f: {  	_ =	shalt  }
0x50: {  	_ =	shalt  }
0x51: {  	_ =	shalt  }
0x52: {  	_ =	shalt  }
0x53: {  	_ =	shalt  }
0x54: {  	_ =	shalt  }
0x55: {  	_ =	shalt  }
0x56: {  	_ =	shalt  }
0x57: {  	_ =	shalt  }
0x58: {  	_ =	shalt  }
0x59: {  	_ =	shalt  }
0x5a: {  	_ =	shalt  }
0x5b: {  	_ =	shalt  }
0x5c: {  	_ =	shalt  }
0x5d: {  	_ =	shalt  }
0x5e: {  	_ =	shalt  }
0x5f: {  	_ =	shalt  }
0x60: {  	_ =	shalt  }
0x61: {  	_ =	shalt  }
0x62: {  	_ =	shalt  }
0x63: {  	_ =	shalt  }
0x64: {  	_ =	shalt  }
0x65: {  	_ =	shalt  }
0x66: {  	_ =	shalt  }
0x67: {  	_ =	shalt  }
0x68: {  	_ =	shalt  }
0x69: {  	_ =	shalt  }
0x6a: {  	_ =	shalt  }
0x6b: {  	_ =	shalt  }
0x6c: {  	_ =	shalt  }
0x6d: {  	_ =	shalt  }
0x6e: {  	_ =	shalt  }
0x6f: {  	_ =	shalt  }
0x70: {  	_ =	shalt  }
0x71: {  	_ =	shalt  }
0x72: {  	_ =	shalt  }
0x73: {  	_ =	shalt  }
0x74: {  	_ =	shalt  }
0x75: {  	_ =	shalt  }
0x76: {  	_ =	shalt  }
0x77: {  	_ =	shalt  }
0x78: {  	_ =	shalt  }
0x79: {  	_ =	shalt  }
0x7a: {  	_ =	shalt  }
0x7b: {  	_ =	shalt  }
0x7c: {  	_ =	shalt  }
0x7d: {  	_ =	shalt  }
0x7e: {  	_ =	shalt  }
0x7f: {  	_ =	shalt  }
0x80: {  	_ =	shalt  }
0x81: {  	_ =	shalt  }
0x82: {  	_ =	shalt  }
0x83: {  	_ =	shalt  }
0x84: {  	_ =	shalt  }
0x85: {  	_ =	shalt  }
0x86: {  	_ =	shalt  }
0x87: {  	_ =	shalt  }
.Lfunc_end0:
.L_simem_size_0:
called_computation.1_lowered:
.L_overlay_start_0:
0x88: {  	s2 =	sld [smem:$0x3FD9]  }
0x89: {  	s3 =	sld [smem:$0x3FFE];
	_ =	sdelay $0x1  }
0x8a: {  	s1 =	srdreg.scid  }
0x8b: {  	s0 =	sand.u32 $0x1, s1  }
0x8c: {  	s17 =	sshll.u32 s0, $0xA;
	s2 =	sadd.s32 s3, s2  }
0x8d: {  	s2 =	sadd.s32 s2, s17  }
0x8e: {  	[smem:$0x3FC6] =	sst s2  }
0x8f: {  	_ = 	snop  }
0x90: {  	s2 =	sld [smem:$0x3FC8];
	(tm) =	ssettm $0x1  }
0x91: {  	s18 =	sld [smem:$0x3FFB];
	_ =	sdelay $0x3  }
0x92: {  	_ =	strace s18  }
0x93: {  	s3 =	sld [smem:$0x3FFC];
	_ =	sdelay $0x3  }
0x94: {  	_ =	strace s3  }
0x95: {  	s3 =	sld [smem:$0x3FFD];
	_ =	sdelay $0x3  }
0x96: {  	_ =	strace s3  }
0x97: {  	_ =	strace $0x8FFFFFFF  }
0x98: {  	s19 =	sld [smem:$0x3FDB];
	_ =	sdelay $0x1  }
0x99: {  	s4 =	simm.s32 $_scs_section_size  }
0x9a: {  	s5 =	simm.s32 $_size__tile_overlayer_lowered;
	s6 =	simm.s32 $_tile_overlayer_lowered  }
0x9b: {  	s22 =	simm.s32 $0x1BFF;
	s21 =	sshll.u32 s6, $0x1;
	s3 =	sadd.s32 s4, s19  }
0x9c: {  	s7 =	simm.s32 $0x0;
	s20 =	sshll.u32 s5, $0x1;
	s5 =	sadd.s32 s21, s3  }
0x9d: {  	[timem:s7], [sflag:s22] =	dma.local [hbm:s5], s20  }
0x9e: {  	_ =	swait.ge [sflag:s22], s20  }
0x9f: {  	s4 =	ssub.s32 $0x0, s20;
	[sflag:s22] =	ssyncset.done $0x0  }
0xa0: {  	[sflag:s22] =	ssyncadd.s32 s4;
	_ =	sdelay $0x1  }
0xa1: {  	s23 =	simm.s32 $0x1B8B  }
0xa2: {  	_ =	swait.ge [sflag:s23], $0x1  }
0xa3: {  	[sflag:s23] =	ssyncset.done $0x0  }
0xa4: {  	s25 =	simm.s32 $0x1B8E;
	s24 =	sld [smem:$0x3FFE];
	[sflag:s23] =	ssyncadd.s32 $0xFFFFFFFF  }
0xa5: {  	s26 =	simm.s32 $execute0_lowered;
	[smem:$0x3FD2] =	sst s25  }
0xa6: {  	s5 =	sshll.u32 s26, $0x1;
	_ =	strace $0x80000049;
	[dreg:$0x1] =	wrdreg $0xFFFFFFFF  }
0xa7: {  	s28 =	simm.s32 $_size_execute0_lowered;
	s3 =	sadd.s32 s3, s5;
	[dreg:$0x0] =	wrdreg $0x0  }
0xa8: {  	s5 =	sshll.u32 s28, $0x1;
	[dreg:$0x2] =	wrdreg s3  }
0xa9: {  	[dreg:$0x3] =	wrdreg s5  }
0xaa: {  	[dreg:$0x4] =	wrdreg $0xC0  }
0xab: {  	_ =	task [dreg:s7], $0x5FFFF  }
0xac: {  	[dreg:$0x1] =	wrdreg $0xFFFFFFFF  }
0xad: {  	[dreg:$0x0] =	wrdreg $0x60  }
0xae: {  	[dreg:$0x2] =	wrdreg s24  }
0xaf: {  	[dreg:$0x3] =	wrdreg s2  }
0xb0: {  	[dreg:$0x4] =	wrdreg $0x9  }
0xb1: {  	_ =	task.clear_ibuf [dreg:s7], $0x5FFFF;
	_ =	strace $0x90000049  }
0xb2: {  	s29 =	simm.s32 $0x9;
	_ =	strace $0x8000004B  }
0xb3: {  	_ =	swait.ge [sflag:s29], $0x1  }
0xb4: {  	[sflag:s29] =	ssyncadd.s32 $0xFFFFFFFF  }
0xb5: {  	_ =	strace $0x9000004B  }
0xb6: {  	_ =	sfence  }
0xb7: {  	s30 =	sld [smem:$0x0];
	_ =	sdelay $0x2  }
0xb8: {  	s31 =	sshll.u32 s1, $0xD;
	s1 =	sshrl.u32 s1, $0x2  }
0xb9: {  	s3 =	sand.u32 $0x4000, s31;
	s1 =	sadd.s32 s1, s30  }
0xba: {  	s0 =	sor.u32 s3, s0;
	s1 =	sshll.u32 s1, $0x11  }
0xbb: {  	s0 =	sor.u32 s1, s0  }
0xbc: {  	s0 =	sadd.s32 $0x8F2B, s0  }
0xbd: {  	[sflag:s0] =	ssyncadd.remote.s32 $0x1  }
0xbe: {  	_ =	sfence.sel $0xFFFF  }
0xbf: {  	[dreg:$0x0] =	wrdreg $0xFFFFFFFF;
	(pc) =	sbr.abs _section_cstart, $3  }
0xc0: {  	[dreg:$0x1] =	wrdreg $0xFFFFFFFF  }
0xc1: {  	_ =	task.clear_ibuf [dreg:s7], $0x2FFFF;
	_ =	strace $0x9FFFFFFF  }
0xc2: {  	(tm) =	ssettm $0x7FFFFFFF  }
0xc3: {  	_ =	shalt  }
tec
execute0_lowered:
.L_overlay_start_1:
0x0: {  	(tag) =	ssettag $0x1  }
0x1: {  	s5 =	rddreg [dreg:$0x0]  }
0x2: {  	s6 =	rddreg [dreg:$0x1]  }
0x3: {  	s2 =	srdreg.scid;
	s1 =	stileid.u32  }
0x4: {  	s10 =	simm.s32 $0x400;
	s11 =	simm.s32 $0x800;
	s12 =	simm.s32 $0x480  }
0x5: {  	s13 =	simm.s32 $0x880;
	s14 =	simm.s32 $0x500;
	s15 =	simm.s32 $0x900  }
0x6: {  	s16 =	simm.s32 $0x580;
	s17 =	simm.s32 $0x980;
	s18 =	simm.s32 $0x600  }
0x7: {  	s19 =	simm.s32 $0xA00;
	s20 =	simm.s32 $0x680;
	s21 =	simm.s32 $0xA80  }
0x8: {  	s22 =	simm.s32 $0x700;
	s23 =	simm.s32 $0xB00;
	s24 =	simm.s32 $0x780  }
0x9: {  	s25 =	simm.s32 $0xB80;
	s26 =	simm.s32 $0x1;
	s28 =	simm.s32 $0x0  }
0xa: {  	s4 =	sand.u32 $0x1, s2;
	s2 =	simm.s32 $0x0;
	s3 =	sshll.u32 s1, $0xB  }
0xb: {  	s7 =	sshll.u32 s4, $0xA;
	[smem:$0x7FF] =	sst s2;
	s8 =	ssub.s32 $0x2, s4  }
0xc: {  	s4 =	sadd.s32 $0xA00, s5;
	s3 =	sor.u32 s7, s3;
	s31 =	sshrl.u32 s8, $0x1  }
0xd: {  	_ =	strace $0x8000004A;
	s7 =	sshrl.u32 s3, $0x3;
	s8 =	ssub.s32 s8, s31  }
0xe: {  	v0 =	vlaneseq.u32;
	s9 =	sadd.s32 s7, s5;
	s5 =	sadd.s32 s6, s7;
	s7 =	smax.u32 s8, $0x1  }
0xf: {  	v0 =	vmul.u32 $0x1000, v0;
	s8 =	simm.s32 $0x2;
	s6 =	sadd.s32 $0x1000A00, s9;
	s9 =	simm.s32 $0x80  }
.LBB2_1:
0x10: {  	[tilespmem:s2], [sflag:$0x2] =	stream.linear.gather [hbm4b:s5+s2], $0x400, $0x38;
	[tilespmem:$0xC00] =	vst v63  }
0x11: {  	_ =	swait.ge [sflag:s8], $0x400  }
0x12: {  	[sflag:s8] =	ssyncset.done $0x0  }
0x13: {  	v1 =	vmov s3;
	s29 =	simm.s32 $0x0;
	[sflag:s8] =	ssyncadd.s32 $0xFFFFFC00  }
0x14: {  	v2 =	vshll.u32 v1, $0xC;
	v1 =	vld [tilespmem:s29+$0x0];
	_ =	sdelay $0x3  }
0x15: {  	s30 =	simm.s32 $0x40;
	s31 =	smov.u32 s3;
	v2 =	vor.u32 v0, v2  }
.LBB2_2:
0x16: {  	s0 =	sshra.s32 s30, $0x2;
	p0 =	sne.s32 s30, $0xFC0;
	s30 =	sadd.s32 $0x40, s30;
	v2 =	vadd.s32 v2, v1  }
.Ltmp0:
0x17: {  	v1 =	vld [tilespmem:s0+$0x0];
	[tilespmem:s29+$0x400] =	vst v2;
	s29 =	smov.u32 s0;
	(pc) =	sbr.rel @p0 .LBB2_2-.Ltmp0, $4  }
0x18: {  	s31 =	sadd.s32 $0x10, s31  }
0x19: {  	v2 =	vmov s31  }
0x1a: {  	v2 =	vshll.u32 v2, $0xC  }
0x1b: {  	v2 =	vor.u32 v0, v2  }
0x1c: {  	v1 =	vadd.s32 v2, v1  }
0x1d: {  	[tilespmem:s29+$0x400] =	vst v1  }
0x1e: {  	[tilespmem:s11], [sflag:$0x1] =	stream.indirect.gather [hbm4b:s4+s9], $0x1, s10, s9, $0xb8;
	[tilespmem:$0xC00] =	vst v63  }
0x1f: {  	_ = 	snop  }
0x20: {  	[tilespmem:s13], [sflag:$0x1] =	stream.indirect.gather [hbm4b:s4+s9], $0x1, s12, s9, $0xb8;
	[tilespmem:$0xC00] =	vst v63  }
0x21: {  	_ = 	snop  }
0x22: {  	[tilespmem:s15], [sflag:$0x1] =	stream.indirect.gather [hbm4b:s4+s9], $0x1, s14, s9, $0xb8;
	[tilespmem:$0xC00] =	vst v63  }
0x23: {  	_ = 	snop  }
0x24: {  	[tilespmem:s17], [sflag:$0x1] =	stream.indirect.gather [hbm4b:s4+s9], $0x1, s16, s9, $0xb8;
	[tilespmem:$0xC00] =	vst v63  }
0x25: {  	_ = 	snop  }
0x26: {  	[tilespmem:s19], [sflag:$0x1] =	stream.indirect.gather [hbm4b:s4+s9], $0x1, s18, s9, $0xb8;
	[tilespmem:$0xC00] =	vst v63  }
0x27: {  	_ = 	snop  }
0x28: {  	[tilespmem:s21], [sflag:$0x1] =	stream.indirect.gather [hbm4b:s4+s9], $0x1, s20, s9, $0xb8;
	[tilespmem:$0xC00] =	vst v63  }
0x29: {  	_ = 	snop  }
0x2a: {  	[tilespmem:s23], [sflag:$0x1] =	stream.indirect.gather [hbm4b:s4+s9], $0x1, s22, s9, $0xb8;
	[tilespmem:$0xC00] =	vst v63  }
0x2b: {  	_ = 	snop  }
0x2c: {  	[tilespmem:s25], [sflag:$0x1] =	stream.indirect.gather [hbm4b:s4+s9], $0x1, s24, s9, $0xb8;
	[tilespmem:$0xC00] =	vst v63  }
0x2d: {  	_ =	swait.ge [sflag:s26], $0x80  }
0x2e: {  	[sflag:s26] =	ssyncset.done $0x0  }
0x2f: {  	[sflag:s26] =	ssyncadd.s32 $0xFFFFFF80  }
0x30: {  	_ =	swait.ge [sflag:s26], $0x80  }
0x31: {  	[sflag:s26] =	ssyncset.done $0x0  }
0x32: {  	[sflag:s26] =	ssyncadd.s32 $0xFFFFFF80  }
0x33: {  	_ =	swait.ge [sflag:s26], $0x80  }
0x34: {  	[sflag:s26] =	ssyncset.done $0x0  }
0x35: {  	[sflag:s26] =	ssyncadd.s32 $0xFFFFFF80  }
0x36: {  	_ =	swait.ge [sflag:s26], $0x80  }
0x37: {  	[sflag:s26] =	ssyncset.done $0x0  }
0x38: {  	[sflag:s26] =	ssyncadd.s32 $0xFFFFFF80  }
0x39: {  	_ =	swait.ge [sflag:s26], $0x80  }
0x3a: {  	[sflag:s26] =	ssyncset.done $0x0  }
0x3b: {  	[sflag:s26] =	ssyncadd.s32 $0xFFFFFF80  }
0x3c: {  	_ =	swait.ge [sflag:s26], $0x80  }
0x3d: {  	[sflag:s26] =	ssyncset.done $0x0  }
0x3e: {  	[sflag:s26] =	ssyncadd.s32 $0xFFFFFF80  }
0x3f: {  	_ =	swait.ge [sflag:s26], $0x80  }
0x40: {  	[sflag:s26] =	ssyncset.done $0x0  }
0x41: {  	[sflag:s26] =	ssyncadd.s32 $0xFFFFFF80  }
0x42: {  	s28 =	sadd.s32 $0x1, s28;
	_ =	swait.ge [sflag:s26], $0x80  }
0x43: {  	p0 =	sne.s32 s28, s7;
	[sflag:s26] =	ssyncset.done $0x0  }
.Ltmp1:
0x44: {  	[sflag:s26] =	ssyncadd.s32 $0xFFFFFF80;
	(pc) =	sbr.rel @p0 .LBB2_1-.Ltmp1, $4  }
0x45: {  	[hbm4b:s6+s2] =	stream.linear.scatter [tilespmem:s11], [sflag:$0x2], $0x400, $0x38;
	[tilespmem:$0xC00] =	vst v63  }
0x46: {  	_ =	swait.ge [sflag:s8], $0x400  }
0x47: {  	[sflag:s8] =	ssyncset.done $0x0  }
0x48: {  	[sflag:s8] =	ssyncadd.s32 $0xFFFFFC00  }
0x49: {  	_ =	sfence.sel $0x180000  }
0x4a: {  	[bflag:$0x0] =	sbarrier.arrive $0xFFFF  }
0x4b: {  	_ =	strace $0x9000004A  }
0x4c: {  	[bflag:$0x2] =	sbarrier.arrive $0xFFFF  }
0x4d: {  	p0 =	sne.s32 s1, $0x0;
	s0 =	rddreg [dreg:$0x2]  }
0x4e: {  	s0 =	sadd.s32 @!p0 $0x100000, s0  }
0x4f: {  	[sflag:s0] =	ssyncadd.tile.s32 @!p0 $0x1;
	_ =	shalt  }
.Lfunc_end2:
_tile_overlayer_lowered:
.L_overlay_start_2:
0x50: {  	(tag) =	ssettag $0x2  }
0x51: {  	s0 =	rddreg [dreg:$0x0];
	s2 =	stileid.u32  }
0x52: {  	s1 =	rddreg [dreg:$0x1];
	p0 =	sne.s32 s2, $0x0  }
0x53: {  	s3 =	rddreg [dreg:$0x2];
	[bflag:$0x3] =	sbarrier.arrive $0xFFFF;
	s2 =	simm.s32 @!p0 $0x1C02  }
0x54: {  	[timem:s3], [sflag:s2] =	dma.local @!p0 [hbm:s0], s1  }
0x55: {  	s0 =	simm.s32 @!p0 $0x2  }
0x56: {  	_ =	swait.ge @!p0 [sflag:s0], s1  }
0x57: {  	s1 =	ssub.s32 @!p0 $0x0, s1;
	[sflag:s0] =	ssyncset.done @!p0 $0x0  }
0x58: {  	[sflag:s0] =	ssyncadd.s32 @!p0 s1  }
0x59: {  	[bflag:$0x3] =	sbarrier.arrive $0xFFFF  }
0x5a: {  	_ =	shalt  }

// kernel: sparse-core-data-format-call.cloned.1.call-start
scs
called_computation_lowered:
.L_overlay_start_0:
0x0: {  	s2 =	sld [smem:$0x3FD9]  }
0x1: {  	s3 =	sld [smem:$0x3FFE];
	_ =	sdelay $0x1  }
0x2: {  	s1 =	srdreg.scid  }
0x3: {  	s0 =	sand.u32 $0x1, s1  }
0x4: {  	s18 =	sshll.u32 s0, $0xA;
	s2 =	sadd.s32 s3, s2  }
0x5: {  	s2 =	sadd.s32 s2, s18  }
0x6: {  	[smem:$0x3FC6] =	sst s2  }
0x7: {  	_ = 	snop  }
0x8: {  	s2 =	sld [smem:$0x3FC9];
	(tm) =	ssettm $0x1  }
0x9: {  	s19 =	sld [smem:$0x3FFB];
	_ =	sdelay $0x3  }
0xa: {  	_ =	strace s19  }
0xb: {  	s3 =	sld [smem:$0x3FFC];
	_ =	sdelay $0x3  }
0xc: {  	_ =	strace s3  }
0xd: {  	s3 =	sld [smem:$0x3FFD];
	_ =	sdelay $0x3  }
0xe: {  	_ =	strace s3  }
0xf: {  	_ =	strace $0x8FFFFFFF  }
0x10: {  	s20 =	sld [smem:$0x3FDB];
	_ =	sdelay $0x1  }
0x11: {  	s4 =	simm.s32 $_scs_section_size  }
0x12: {  	s5 =	simm.s32 $_size__tile_overlayer_lowered;
	s6 =	simm.s32 $_tile_overlayer_lowered  }
0x13: {  	s23 =	simm.s32 $0x1BFF;
	s22 =	sshll.u32 s6, $0x1;
	s3 =	sadd.s32 s4, s20  }
0x14: {  	s7 =	simm.s32 $0x0;
	s21 =	sshll.u32 s5, $0x1;
	s5 =	sadd.s32 s22, s3  }
0x15: {  	[timem:s7], [sflag:s23] =	dma.local [hbm:s5], s21  }
0x16: {  	_ =	swait.ge [sflag:s23], s21  }
0x17: {  	s4 =	ssub.s32 $0x0, s21;
	[sflag:s23] =	ssyncset.done $0x0  }
0x18: {  	[sflag:s23] =	ssyncadd.s32 s4;
	_ =	sdelay $0x1  }
0x19: {  	s24 =	simm.s32 $0x1B8B  }
0x1a: {  	_ =	swait.ge [sflag:s24], $0x1  }
0x1b: {  	[sflag:s24] =	ssyncset.done $0x0  }
0x1c: {  	s26 =	simm.s32 $0x1B8E;
	s25 =	sld [smem:$0x3FFE];
	[sflag:s24] =	ssyncadd.s32 $0xFFFFFFFF  }
0x1d: {  	s27 =	simm.s32 $execute0_lowered;
	[smem:$0x3FD2] =	sst s26  }
0x1e: {  	s5 =	sshll.u32 s27, $0x1;
	_ =	strace $0x80000046;
	[dreg:$0x1] =	wrdreg $0xFFFFFFFF  }
0x1f: {  	s28 =	simm.s32 $_size_execute0_lowered;
	s3 =	sadd.s32 s3, s5;
	[dreg:$0x0] =	wrdreg $0x0  }
0x20: {  	s5 =	sshll.u32 s28, $0x1;
	[dreg:$0x2] =	wrdreg s3  }
0x21: {  	[dreg:$0x3] =	wrdreg s5  }
0x22: {  	[dreg:$0x4] =	wrdreg $0xC0  }
0x23: {  	_ =	task [dreg:s7], $0x5FFFF  }
0x24: {  	[dreg:$0x1] =	wrdreg $0xFFFFFFFF  }
0x25: {  	[dreg:$0x0] =	wrdreg $0x60  }
0x26: {  	[dreg:$0x2] =	wrdreg s2  }
0x27: {  	[dreg:$0x3] =	wrdreg s25  }
0x28: {  	[dreg:$0x4] =	wrdreg $0x9  }
0x29: {  	_ =	task.clear_ibuf [dreg:s7], $0x5FFFF;
	_ =	strace $0x90000046  }
0x2a: {  	s29 =	simm.s32 $0x9;
	_ =	strace $0x80000048  }
0x2b: {  	_ =	swait.ge [sflag:s29], $0x1  }
0x2c: {  	[sflag:s29] =	ssyncadd.s32 $0xFFFFFFFF  }
0x2d: {  	_ =	strace $0x90000048  }
0x2e: {  	_ =	sfence  }
0x2f: {  	s30 =	sld [smem:$0x0];
	_ =	sdelay $0x2  }
0x30: {  	s31 =	sshll.u32 s1, $0xD;
	s1 =	sshrl.u32 s1, $0x2  }
0x31: {  	s3 =	sand.u32 $0x4000, s31;
	s1 =	sadd.s32 s1, s30  }
0x32: {  	s0 =	sor.u32 s3, s0;
	s1 =	sshll.u32 s1, $0x11  }
0x33: {  	s0 =	sor.u32 s1, s0  }
0x34: {  	s0 =	sadd.s32 $0x8F2B, s0  }
0x35: {  	[sflag:s0] =	ssyncadd.remote.s32 $0x1  }
0x36: {  	_ =	sfence.sel $0xFFFF  }
0x37: {  	[dreg:$0x0] =	wrdreg $0xFFFFFFFF;
	(pc) =	sbr.abs _section_cstart, $3  }
0x38: {  	[dreg:$0x1] =	wrdreg $0xFFFFFFFF  }
0x39: {  	_ =	task.clear_ibuf [dreg:s7], $0x2FFFF;
	_ =	strace $0x9FFFFFFF  }
0x3a: {  	(tm) =	ssettm $0x7FFFFFFF  }
0x3b: {  	_ =	shalt  }
tec
execute0_lowered:
.L_overlay_start_1:
0x0: {  	(tag) =	ssettag $0x1  }
0x1: {  	s2 =	rddreg [dreg:$0x0]  }
0x2: {  	s1 =	rddreg [dreg:$0x1]  }
0x3: {  	s0 =	rddreg [dreg:$0x2];
	_ =	strace $0x80000047;
	s4 =	srdreg.scid  }
0x4: {  	s6 =	simm.s32 $0x2;
	s11 =	simm.s32 $0x0;
	p0 =	por $0x0, $0x0  }
.Ltmp0:
0x5: {  	s7 =	simm.s32 $0x1000;
	s12 =	simm.s32 $0x0;
	(pc) =	sbr.rel .LBB1_1-.Ltmp0, $4  }
0x6: {  	s9 =	simm.s32 $0x0;
	s3 =	sadd.s32 $0xA00, s1;
	s5 =	sshll.u32 s4, $0x4  }
0x7: {  	s1 =	stileid.u32;
	s4 =	simm.s32 $0x1;
	s5 =	sand.u32 $0x10, s5  }
0x8: {  	s8 =	simm.s32 $0x0;
	[sflag:s4] =	ssyncpa.u1 $0x0;
	s5 =	sor.u32 s1, s5  }
0x9: {  	[sflag:s6] =	ssyncpa.u1 $0x0;
	s6 =	simm.s32 $0x800;
	s10 =	smov.u32 s5  }
.LBB1_7:
0xa: {  	s13 =	sadd.s32 $0x10, s9  }
0xb: {  	s11 =	sadd.s32 $0x20, s10;
	s15 =	smov.u32 s10;
	p2 =	sgt.s32 s13, $0x1F  }
0xc: {  	p1 =	slt.u32 s8, $0x2;
	s15 =	smov.u32 @p2 s11  }
0xd: {  	s8 =	sadd.s32 $0x1, s8;
	s13 =	simm.s32 @p2 $0x0;
	p2 =	sgt.s32 s15, $0xFFF  }
0xe: {  	s15 =	smov.u32 @p2 s5;
	p2 =	sne.s32 s8, $0x102  }
.Ltmp1:
0xf: {  	_ = 	snop;
	(pc) =	sbr.rel @!p2 .LBB1_8-.Ltmp1, $4  }
0x10: {  	s14 =	simm.s32 @!p1 $0x2  }
0x11: {  	s12 =	smov.u32 s10;
	_ =	swait.ge @!p1 [sflag:s14], $0x4000  }
0x12: {  	p0 =	por !p0, !p0;
	s11 =	smov.u32 s9;
	[sflag:s14] =	ssyncset.done @!p1 $0x0  }
0x13: {  	s9 =	smov.u32 s13;
	[sflag:s14] =	ssyncadd.s32 @!p1 $0xFFFFC000;
	s10 =	smov.u32 s15  }
.LBB1_1:
0x14: {  	p1 =	sgt.u32 s8, $0xFF  }
0x15: {  	s13 =	sxor.u32 @!p1 $0xFFFFFFFF, s8;
	s14 =	sshll.u32 @!p1 s10, $0xC  }
0x16: {  	s15 =	sshll.u32 @!p1 s9, $0x7;
	s13 =	sshll.u32 @!p1 s13, $0xE;
	s14 =	sadd.s32 @!p1 s2, s14  }
0x17: {  	s13 =	sand.u32 @!p1 $0x4000, s13;
	s14 =	sadd.s32 @!p1 s15, s14;
	s15 =	simm.s32 @!p1 $0x0  }
0x18: {  	[tilespmem:s13], [sflag:$0x1] =	stream.linear.gather @!p1 [hbm4b:s14+s15], $0x4000, $0x38;
	[tilespmem:$0x10000] =	vst v63  }
0x19: {  	p1 =	seq.s32 s8, $0x0  }
0x1a: {  	p2 =	seq.s32 @!p1 s8, $0x101  }
0x1b: {  	p1 =	por p1, p2  }
.Ltmp2:
0x1c: {  	_ = 	snop;
	(pc) =	sbr.rel @p1 .LBB1_7-.Ltmp2, $1  }
0x1d: {  	_ =	sdelay $0x3  }
0x1e: {  	s13 =	simm.s32 $0x1;
	_ =	swait.ge [sflag:s4], $0x4000;
	s16 =	sshll.u32 s8, $0xE  }
0x1f: {  	s13 =	simm.s32 @!p0 $0x0;
	[sflag:s4] =	ssyncset.done $0x0;
	s31 =	sand.u32 $0x4000, s16  }
0x20: {  	s16 =	simm.s32 $0x0;
	s14 =	sshll.u32 s13, $0xE;
	[sflag:s4] =	ssyncadd.s32 $0xFFFFC000  }
0x21: {  	s13 =	sor.u32 $0x8040, s14;
	s15 =	sor.u32 $0x40, s14;
	s14 =	sor.u32 $0x8000, s31  }
.LBB1_3:
0x22: {  	v0 =	vmov s15;
	_ =	sdelay $0x3  }
0x23: {  	s18 =	simm.s32 $0x0  }
0x24: {  	v6 =	vld.idx.msk [tilespmem:v0+s18+$0x30 ss:$0x1], $0xffff  }
0x25: {  	v7 =	vld.idx.msk [tilespmem:v0+s18+$0xFFFFFFC0 ss:$0x1], $0xffff  }
0x26: {  	v5 =	vld.idx.msk [tilespmem:v0+s18+$0xFFFFFFD0 ss:$0x1], $0xffff  }
0x27: {  	v4 =	vld.idx.msk [tilespmem:v0+s18+$0xFFFFFFE0 ss:$0x1], $0xffff  }
0x28: {  	v3 =	vld.idx.msk [tilespmem:v0+s18+$0xFFFFFFF0 ss:$0x1], $0xffff  }
0x29: {  	v1 =	vld.idx.msk [tilespmem:v0+s18+$0x0 ss:$0x1], $0xffff  }
0x2a: {  	v2 =	vld.idx.msk [tilespmem:v0+s18+$0x10 ss:$0x1], $0xffff;
	[tilespmem:s13+$0x30] =	vst v6  }
0x2b: {  	s17 =	simm.s32 $0x80;
	s19 =	simm.s32 $0x400;
	[tilespmem:s13+$0xFFFFFFC0] =	vst v7;
	v6 =	vld.idx.msk [tilespmem:v0+s18+$0x20 ss:$0x1], $0xffff;
	s18 =	smov.u32 s13  }
.LBB1_4:
0x2c: {  	p1 =	sne.s32 s19, $0xE00;
	v7 =	vld.idx.msk [tilespmem:v0+s17+$0x30 ss:$0x1], $0xffff;
	[tilespmem:s18+$0xFFFFFFD0] =	vst v5  }
0x2d: {  	v8 =	vld.idx.msk [tilespmem:v0+s17+$0xFFFFFFC0 ss:$0x1], $0xffff;
	[tilespmem:s18+$0xFFFFFFE0] =	vst v4  }
0x2e: {  	v5 =	vld.idx.msk [tilespmem:v0+s17+$0xFFFFFFD0 ss:$0x1], $0xffff;
	[tilespmem:s18+$0xFFFFFFF0] =	vst v3  }
.Ltmp3:
0x2f: {  	v4 =	vld.idx.msk [tilespmem:v0+s17+$0xFFFFFFE0 ss:$0x1], $0xffff;
	[tilespmem:s18+$0x0] =	vst v1;
	(pc) =	sbr.rel @p1 .LBB1_4-.Ltmp3, $4  }
0x30: {  	v3 =	vld.idx.msk [tilespmem:v0+s17+$0xFFFFFFF0 ss:$0x1], $0xffff;
	[tilespmem:s18+$0x10] =	vst v2  }
0x31: {  	v1 =	vld.idx.msk [tilespmem:v0+s17+$0x0 ss:$0x1], $0xffff;
	[tilespmem:s18+$0x20] =	vst v6;
	s18 =	sadd.s32 $0x800, s18  }
0x32: {  	v2 =	vld.idx.msk [tilespmem:v0+s17+$0x10 ss:$0x1], $0xffff;
	[tilespmem:s18+$0x30] =	vst v7  }
0x33: {  	[tilespmem:s18+$0xFFFFFFC0] =	vst v8;
	v6 =	vld.idx.msk [tilespmem:v0+s17+$0x20 ss:$0x1], $0xffff;
	s17 =	sshra.s32 s19, $0x2;
	s19 =	sadd.s32 $0x200, s19  }
0x34: {  	_ =	sdelay $0x2  }
0x35: {  	[tilespmem:s18+$0xFFFFFFD0] =	vst v5  }
0x36: {  	v56 =	vld.idx.msk [tilespmem:v0+s17+$0x30 ss:$0x1], $0xffff;
	[tilespmem:s18+$0xFFFFFFE0] =	vst v4  }
0x37: {  	v57 =	vld.idx.msk [tilespmem:v0+s17+$0xFFFFFFC0 ss:$0x1], $0xffff;
	[tilespmem:s18+$0xFFFFFFF0] =	vst v3  }
0x38: {  	v58 =	vld.idx.msk [tilespmem:v0+s17+$0xFFFFFFD0 ss:$0x1], $0xffff;
	[tilespmem:s18+$0x0] =	vst v1  }
0x39: {  	v59 =	vld.idx.msk [tilespmem:v0+s17+$0xFFFFFFE0 ss:$0x1], $0xffff;
	[tilespmem:s18+$0x10] =	vst v2  }
0x3a: {  	v60 =	vld.idx.msk [tilespmem:v0+s17+$0xFFFFFFF0 ss:$0x1], $0xffff;
	s31 =	sadd.s32 $0x800, s18;
	[tilespmem:s18+$0x20] =	vst v6  }
0x3b: {  	v61 =	vld.idx.msk [tilespmem:v0+s17+$0x0 ss:$0x1], $0xffff;
	[tilespmem:s31+$0x30] =	vst v56  }
0x3c: {  	v62 =	vld.idx.msk [tilespmem:v0+s17+$0x10 ss:$0x1], $0xffff;
	s16 =	sadd.s32 $0x1, s16;
	[tilespmem:s31+$0xFFFFFFC0] =	vst v57  }
0x3d: {  	v63 =	vld.idx.msk [tilespmem:v0+s17+$0x20 ss:$0x1], $0xffff;
	p1 =	sne.s32 s16, $0x10;
	[tilespmem:s31+$0xFFFFFFD0] =	vst v58  }
.Ltmp4:
0x3e: {  	[tilespmem:s31+$0xFFFFFFE0] =	vst v59;
	(pc) =	sbr.rel @p1 .LBB1_3-.Ltmp4, $4  }
0x3f: {  	[tilespmem:s31+$0xFFFFFFF0] =	vst v60  }
0x40: {  	[tilespmem:s31+$0x0] =	vst v61  }
0x41: {  	[tilespmem:s31+$0x10] =	vst v62  }
0x42: {  	s13 =	sadd.s32 $0x80, s13;
	s15 =	sadd.s32 $0x400, s15;
	[tilespmem:s31+$0x20] =	vst v63  }
.Ltmp5:
0x43: {  	(pc) =	sbr.rel .LBB1_7-.Ltmp5, $4  }
0x44: {  	s12 =	sshll.u32 s12, $0xC;
	s11 =	sshll.u32 s11, $0x4  }
0x45: {  	s11 =	sand.u32 $0x1F0, s11;
	s12 =	sadd.s32 s3, s12  }
0x46: {  	s11 =	sadd.s32 s11, s12  }
0x47: {  	[hbm4b:s11+s6] =	stream.strided.scatter [tilespmem:s14], [sflag:$0x2], $0x4000, s7, s6, $0x38;
	[tilespmem:$0x10000] =	vst v63  }
.LBB1_8:
0x48: {  	_ =	sfence.sel $0x180000  }
0x49: {  	s2 =	simm.s32 $0x1;
	[bflag:$0x0] =	sbarrier.arrive $0xFFFF  }
0x4a: {  	s31 =	simm.s32 $0x2;
	[sflag:s2] =	ssyncpa.u1 $0x1  }
0x4b: {  	[sflag:s31] =	ssyncpa.u1 $0x1  }
0x4c: {  	p0 =	sne.s32 s1, $0x0;
	_ =	strace $0x90000047  }
0x4d: {  	s0 =	sadd.s32 @!p0 $0x100000, s0;
	[bflag:$0x2] =	sbarrier.arrive $0xFFFF  }
0x4e: {  	[sflag:s0] =	ssyncadd.tile.s32 @!p0 $0x1;
	_ =	shalt  }
.Lfunc_end1:
_tile_overlayer_lowered:
.L_overlay_start_2:
0x4f: {  	(tag) =	ssettag $0x2  }
0x50: {  	s0 =	rddreg [dreg:$0x0];
	s2 =	stileid.u32  }
0x51: {  	s1 =	rddreg [dreg:$0x1];
	p0 =	sne.s32 s2, $0x0  }
0x52: {  	s3 =	rddreg [dreg:$0x2];
	[bflag:$0x3] =	sbarrier.arrive $0xFFFF;
	s2 =	simm.s32 @!p0 $0x1C01  }
0x53: {  	[timem:s3], [sflag:s2] =	dma.local @!p0 [hbm:s0], s1  }
0x54: {  	s0 =	simm.s32 @!p0 $0x1  }
0x55: {  	_ =	swait.ge @!p0 [sflag:s0], s1  }
0x56: {  	s1 =	ssub.s32 @!p0 $0x0, s1;
	[sflag:s0] =	ssyncset.done @!p0 $0x0  }
0x57: {  	[sflag:s0] =	ssyncadd.s32 @!p0 s1  }
0x58: {  	[bflag:$0x3] =	sbarrier.arrive $0xFFFF  }
0x59: {  	_ =	shalt  }

</sc_bundles>
